<compile_context>
chip_gen: v7x
topology: tpu7x:2x2x1
jax: 0.10.2.dev20260603
libtpu: 0.0.44.dev20260713+nightly
codegen_flags: <defaults>
</compile_context>

<pallas_src>
import jax
import jax.numpy as jnp
from jax import lax
from jax.experimental import pallas as pl
from jax.experimental.pallas import tpu as pltpu
from jax.experimental.pallas import tpu_sc as plsc

BATCH = 4096
HIST = 200
EMB_DIM = 64
NUM_Y = 16
NC = 2
NS = 16
NW = NC * NS
BAGS_PER_W = BATCH // NW
SPLIT = 104


def _sc_bag_sum(text_hbm, emb_hbm, out_hbm,
                idx_v, buf0, buf1, out_v, sem0, sem1, lin_sem):
    wid = lax.axis_index("s") * NC + lax.axis_index("c")
    base = wid * BAGS_PER_W

    cp = pltpu.make_async_copy(text_hbm.at[pl.ds(base, BAGS_PER_W)], idx_v,
                               lin_sem)
    cp.start()
    cp.wait()

    bufs = (buf0, buf1)
    sems = (sem0, sem1)

    def issue(bag, buf, sem):
        pltpu.make_async_copy(
            emb_hbm.at[idx_v.at[bag, pl.ds(0, SPLIT)]],
            buf.at[pl.ds(0, SPLIT)], sem).start()
        pltpu.make_async_copy(
            emb_hbm.at[idx_v.at[bag, pl.ds(SPLIT, HIST - SPLIT)]],
            buf.at[pl.ds(SPLIT, HIST - SPLIT)], sem).start()

    def wait(buf, sem):
        pltpu.make_async_copy(emb_hbm.at[pl.ds(0, HIST)], buf, sem).wait()

    def compute(bag, buf):
        def acc_body(r, acc):
            a0, a1, a2, a3 = acc
            return (a0 + buf[r, pl.ds(0, 16)],
                    a1 + buf[r, pl.ds(16, 16)],
                    a2 + buf[r, pl.ds(32, 16)],
                    a3 + buf[r, pl.ds(48, 16)])
        z = jnp.zeros((16,), jnp.float32)
        a0, a1, a2, a3 = lax.fori_loop(0, HIST, acc_body, (z, z, z, z))
        out_v[bag, pl.ds(0, 16)] = a0
        out_v[bag, pl.ds(16, 16)] = a1
        out_v[bag, pl.ds(32, 16)] = a2
        out_v[bag, pl.ds(48, 16)] = a3

    issue(0, bufs[0], sems[0])

    def outer(i, carry):
        g = 2 * i
        issue(g + 1, bufs[1], sems[1])
        wait(bufs[0], sems[0])
        compute(g, bufs[0])

        @pl.when(g + 2 < BAGS_PER_W)
        def _():
            issue(g + 2, bufs[0], sems[0])
        wait(bufs[1], sems[1])
        compute(g + 1, bufs[1])
        return carry

    lax.fori_loop(0, BAGS_PER_W // 2, outer, 0)

    cp = pltpu.make_async_copy(out_v, out_hbm.at[pl.ds(base, BAGS_PER_W)],
                               lin_sem)
    cp.start()
    cp.wait()


def _tc_linear(sums_ref, w_ref, b_ref, out_ref):
    out_ref[...] = (
        jnp.dot(sums_ref[...], w_ref[...], preferred_element_type=jnp.float32)
        + b_ref[...]
    )


@jax.jit
def _run(text, emb_weight, w_scaled, lin_b):
    mesh = plsc.VectorSubcoreMesh(core_axis_name="c", subcore_axis_name="s")
    bag_sums = pl.kernel(
        _sc_bag_sum,
        out_type=jax.ShapeDtypeStruct((BATCH, EMB_DIM), jnp.float32),
        mesh=mesh,
        scratch_types=[
            pltpu.VMEM((BAGS_PER_W, HIST), jnp.int32),
            pltpu.VMEM((HIST, EMB_DIM), jnp.float32),
            pltpu.VMEM((HIST, EMB_DIM), jnp.float32),
            pltpu.VMEM((BAGS_PER_W, EMB_DIM), jnp.float32),
            pltpu.SemaphoreType.DMA,
            pltpu.SemaphoreType.DMA,
            pltpu.SemaphoreType.DMA,
        ],
        compiler_params=pltpu.CompilerParams(use_tc_tiling_on_sc=False),
    )(text, emb_weight)
    return pl.pallas_call(
        _tc_linear,
        out_shape=jax.ShapeDtypeStruct((BATCH, NUM_Y), jnp.float32),
    )(bag_sums, w_scaled, lin_b.reshape(1, NUM_Y))


def kernel(text, emb_weight, lin_w, lin_b):
    w_scaled = lin_w.T.reshape(EMB_DIM, NUM_Y) * jnp.float32(1.0 / HIST)
    return _run(text.astype(jnp.int32), emb_weight, w_scaled, lin_b)

# --- scband reference (transcript-rebuilt; emitter-appended) ---
"""Pipeline reference for scband-net-9277129359509 (READ-ONLY COPY).

The authoritative reference and input builder live on the scoring server;
editing this copy changes nothing except your own understanding.
"""

import jax, jax.numpy as jnp
import numpy as np

NUM_WORDS = 1000000
EMB_DIM = 64
NUM_Y = 16
BATCH = 4096
HIST = 200


def setup_inputs(seed: int = 0) -> dict:
    key = jax.random.key(seed)
    k1, k2, k3, k4 = jax.random.split(key, 4)
    text = jax.random.randint(k1, (BATCH, HIST), 0, NUM_WORDS, dtype=jnp.int64)
    emb_weight = jax.random.normal(k2, (NUM_WORDS, EMB_DIM), dtype=jnp.float32)
    lin_w = jax.random.normal(k3, (NUM_Y, EMB_DIM), dtype=jnp.float32) * (1.0 / np.sqrt(EMB_DIM))
    lin_b = jax.random.normal(k4, (NUM_Y,), dtype=jnp.float32) * 0.01
    return {"text": text, "emb_weight": emb_weight, "lin_w": lin_w, "lin_b": lin_b}


def reference(text, emb_weight, lin_w, lin_b):
    # nn.EmbeddingBag default mode='mean' over each bag (row of 2D input)
    gathered = jnp.take(emb_weight, text, axis=0)          # [B, L, D]
    embeds = jnp.mean(gathered, axis=1)                    # [B, D]
    out = embeds @ lin_w.T + lin_b                         # [B, num_y]
    return out

if __name__ == "__main__":
    import jax
    _d = setup_inputs()
    print(jax.jit(kernel)(*tuple(_d.values())))

</pallas_src>

<mosaic_0001>
#map = affine_map<(d0, d1) -> (0, 0)>
module attributes {stable_mosaic.version = 14 : i64} {
  func.func @_sc_bag_sum(%arg0: i32, %arg1: i32, %arg2: memref<4096x200xi32, #tpu.memory_space<hbm>>, %arg3: memref<1000000x64xf32, #tpu.memory_space<hbm>>, %arg4: memref<4096x64xf32, #tpu.memory_space<hbm>>, %arg5: memref<128x200xi32, #tpu.memory_space<vmem>>, %arg6: memref<200x64xf32, #tpu.memory_space<vmem>>, %arg7: memref<200x64xf32, #tpu.memory_space<vmem>>, %arg8: memref<128x64xf32, #tpu.memory_space<vmem>>, %arg9: memref<!tpu.dma_semaphore, #tpu.memory_space<semaphore_mem>>, %arg10: memref<!tpu.dma_semaphore, #tpu.memory_space<semaphore_mem>>, %arg11: memref<!tpu.dma_semaphore, #tpu.memory_space<semaphore_mem>>) attributes {dimension_semantics = [#tpu.dimension_semantics<core_parallel>, #tpu.dimension_semantics<subcore_parallel>], iteration_bounds = array<i64: 2, 16>, scalar_prefetch = 0 : i64, scratch_operands = 7 : i64, tpu.core_type = #tpu.core_type<sc_vector_subcore>, window_params = [{transform_indices = #map}, {transform_indices = #map}, {transform_indices = #map}]} {
    %mul3A = arith.constant 2 : i32
    %mul3A_0 = arith.muli %arg1, %mul3A : i32
    %add3A = arith.addi %mul3A_0, %arg0 : i32
    %mul3A_1 = arith.constant 128 : i32
    %mul3A_2 = arith.muli %add3A, %mul3A_1 : i32
    %dma_start3A = arith.constant 0 : i32
    %dma_start3A_3 = tpu.memref_slice %arg2[%mul3A_2, %dma_start3A] : memref<4096x200xi32, #tpu.memory_space<hbm>> -> memref<128x200xi32, #tpu.memory_space<hbm>>
    %dma_start3A_4 = arith.constant 0 : i32
    %dma_start3A_5 = tpu.memref_slice %arg2[%mul3A_2, %dma_start3A_4] : memref<4096x200xi32, #tpu.memory_space<hbm>> -> memref<128x200xi32, #tpu.memory_space<hbm>>
    tpu.enqueue_dma source(%dma_start3A_5 : memref<128x200xi32, #tpu.memory_space<hbm>>) target(%arg5 : memref<128x200xi32, #tpu.memory_space<vmem>>) target_semaphore(%arg11 : memref<!tpu.dma_semaphore, #tpu.memory_space<semaphore_mem>>)
    %dma_wait3A = arith.constant 0 : i32
    %dma_wait3A_6 = tpu.memref_slice %arg2[%mul3A_2, %dma_wait3A] : memref<4096x200xi32, #tpu.memory_space<hbm>> -> memref<128x200xi32, #tpu.memory_space<hbm>>
    %dma_wait3A_7 = arith.constant 0 : i32
    %dma_wait3A_8 = tpu.memref_slice %arg2[%mul3A_2, %dma_wait3A_7] : memref<4096x200xi32, #tpu.memory_space<hbm>> -> memref<128x200xi32, #tpu.memory_space<hbm>>
    tpu.wait_dma2 semaphore(%arg11 : memref<!tpu.dma_semaphore, #tpu.memory_space<semaphore_mem>>) src(%dma_wait3A_8 : memref<128x200xi32, #tpu.memory_space<hbm>>) dst(%arg5 : memref<128x200xi32, #tpu.memory_space<vmem>>)
    %dma_start3A_9 = arith.constant 0 : i32
    %dma_start3A_10 = arith.constant 0 : i32
    %dma_start3A_11 = arith.constant 0 : i32
    %dma_start3A_12 = tpu.memref_slice %arg6[%dma_start3A_10, %dma_start3A_11] : memref<200x64xf32, #tpu.memory_space<vmem>> -> memref<104x64xf32, #tpu.memory_space<vmem>>
    %dma_start3A_13 = arith.constant 0 : i32
    %dma_start3A_14 = tpu.memref_slice %arg5[%dma_start3A_9, %dma_start3A_13] : memref<128x200xi32, #tpu.memory_space<vmem>> -> memref<1x104xi32, #tpu.memory_space<vmem>>
    %dma_start3A_15 = tpu.memref_squeeze %dma_start3A_14 : memref<1x104xi32, #tpu.memory_space<vmem>> -> memref<104xi32, #tpu.memory_space<vmem>>
    %dma_start3A_16 = arith.constant 0 : i32
    %dma_start3A_17 = arith.constant 0 : i32
    %dma_start3A_18 = tpu.memref_slice %arg3[%dma_start3A_16, %dma_start3A_17] : memref<1000000x64xf32, #tpu.memory_space<hbm>> -> memref<1000000x64xf32, #tpu.memory_space<hbm>>
    tpu.enqueue_indirect_dma source(%dma_start3A_18 : memref<1000000x64xf32, #tpu.memory_space<hbm>>) target(%dma_start3A_12 : memref<104x64xf32, #tpu.memory_space<vmem>>) offsets(%dma_start3A_15 : memref<104xi32, #tpu.memory_space<vmem>>) semaphore(%arg9 : memref<!tpu.dma_semaphore, #tpu.memory_space<semaphore_mem>>)
    %dma_start3A_19 = arith.constant 0 : i32
    %dma_start3A_20 = arith.constant 104 : i32
    %dma_start3A_21 = arith.constant 0 : i32
    %dma_start3A_22 = tpu.memref_slice %arg6[%dma_start3A_20, %dma_start3A_21] : memref<200x64xf32, #tpu.memory_space<vmem>> -> memref<96x64xf32, #tpu.memory_space<vmem>>
    %dma_start3A_23 = arith.constant 104 : i32
    %dma_start3A_24 = tpu.memref_slice %arg5[%dma_start3A_19, %dma_start3A_23] : memref<128x200xi32, #tpu.memory_space<vmem>> -> memref<1x96xi32, #tpu.memory_space<vmem>>
    %dma_start3A_25 = tpu.memref_squeeze %dma_start3A_24 : memref<1x96xi32, #tpu.memory_space<vmem>> -> memref<96xi32, #tpu.memory_space<vmem>>
    %dma_start3A_26 = arith.constant 0 : i32
    %dma_start3A_27 = arith.constant 0 : i32
    %dma_start3A_28 = tpu.memref_slice %arg3[%dma_start3A_26, %dma_start3A_27] : memref<1000000x64xf32, #tpu.memory_space<hbm>> -> memref<1000000x64xf32, #tpu.memory_space<hbm>>
    tpu.enqueue_indirect_dma source(%dma_start3A_28 : memref<1000000x64xf32, #tpu.memory_space<hbm>>) target(%dma_start3A_22 : memref<96x64xf32, #tpu.memory_space<vmem>>) offsets(%dma_start3A_25 : memref<96xi32, #tpu.memory_space<vmem>>) semaphore(%arg9 : memref<!tpu.dma_semaphore, #tpu.memory_space<semaphore_mem>>)
    %scan3A = arith.constant 0 : i32
    %scan3A_29 = arith.constant 0 : i32
    %scan3A_30 = arith.constant 64 : i32
    %scan3A_31 = arith.addi %scan3A_29, %scan3A_30 : i32
    %scan3A_32 = arith.constant 1 : i32
    scf.for %scan3A_42 = %scan3A_29 to %scan3A_31 step %scan3A_32  : i32 {
      %mul3A_43 = arith.constant 2 : i32
      %mul3A_44 = arith.muli %mul3A_43, %scan3A_42 : i32
      %add3A_45 = arith.constant 1 : i32
      %add3A_46 = arith.addi %mul3A_44, %add3A_45 : i32
      %dma_start3A_47 = arith.constant 0 : i32
      %dma_start3A_48 = arith.constant 0 : i32
      %dma_start3A_49 = tpu.memref_slice %arg7[%dma_start3A_47, %dma_start3A_48] : memref<200x64xf32, #tpu.memory_space<vmem>> -> memref<104x64xf32, #tpu.memory_space<vmem>>
      %dma_start3A_50 = arith.constant 0 : i32
      %dma_start3A_51 = tpu.memref_slice %arg5[%add3A_46, %dma_start3A_50] : memref<128x200xi32, #tpu.memory_space<vmem>> -> memref<1x104xi32, #tpu.memory_space<vmem>>
      %dma_start3A_52 = tpu.memref_squeeze %dma_start3A_51 : memref<1x104xi32, #tpu.memory_space<vmem>> -> memref<104xi32, #tpu.memory_space<vmem>>
      %dma_start3A_53 = arith.constant 0 : i32
      %dma_start3A_54 = arith.constant 0 : i32
      %dma_start3A_55 = tpu.memref_slice %arg3[%dma_start3A_53, %dma_start3A_54] : memref<1000000x64xf32, #tpu.memory_space<hbm>> -> memref<1000000x64xf32, #tpu.memory_space<hbm>>
      tpu.enqueue_indirect_dma source(%dma_start3A_55 : memref<1000000x64xf32, #tpu.memory_space<hbm>>) target(%dma_start3A_49 : memref<104x64xf32, #tpu.memory_space<vmem>>) offsets(%dma_start3A_52 : memref<104xi32, #tpu.memory_space<vmem>>) semaphore(%arg10 : memref<!tpu.dma_semaphore, #tpu.memory_space<semaphore_mem>>)
      %dma_start3A_56 = arith.constant 104 : i32
      %dma_start3A_57 = arith.constant 0 : i32
      %dma_start3A_58 = tpu.memref_slice %arg7[%dma_start3A_56, %dma_start3A_57] : memref<200x64xf32, #tpu.memory_space<vmem>> -> memref<96x64xf32, #tpu.memory_space<vmem>>
      %dma_start3A_59 = arith.constant 104 : i32
      %dma_start3A_60 = tpu.memref_slice %arg5[%add3A_46, %dma_start3A_59] : memref<128x200xi32, #tpu.memory_space<vmem>> -> memref<1x96xi32, #tpu.memory_space<vmem>>
      %dma_start3A_61 = tpu.memref_squeeze %dma_start3A_60 : memref<1x96xi32, #tpu.memory_space<vmem>> -> memref<96xi32, #tpu.memory_space<vmem>>
      %dma_start3A_62 = arith.constant 0 : i32
      %dma_start3A_63 = arith.constant 0 : i32
      %dma_start3A_64 = tpu.memref_slice %arg3[%dma_start3A_62, %dma_start3A_63] : memref<1000000x64xf32, #tpu.memory_space<hbm>> -> memref<1000000x64xf32, #tpu.memory_space<hbm>>
      tpu.enqueue_indirect_dma source(%dma_start3A_64 : memref<1000000x64xf32, #tpu.memory_space<hbm>>) target(%dma_start3A_58 : memref<96x64xf32, #tpu.memory_space<vmem>>) offsets(%dma_start3A_61 : memref<96xi32, #tpu.memory_space<vmem>>) semaphore(%arg10 : memref<!tpu.dma_semaphore, #tpu.memory_space<semaphore_mem>>)
      %dma_wait3A_65 = arith.constant 0 : i32
      %dma_wait3A_66 = arith.constant 0 : i32
      %dma_wait3A_67 = tpu.memref_slice %arg3[%dma_wait3A_65, %dma_wait3A_66] : memref<1000000x64xf32, #tpu.memory_space<hbm>> -> memref<200x64xf32, #tpu.memory_space<hbm>>
      %dma_wait3A_68 = arith.constant 0 : i32
      %dma_wait3A_69 = arith.constant 0 : i32
      %dma_wait3A_70 = tpu.memref_slice %arg3[%dma_wait3A_68, %dma_wait3A_69] : memref<1000000x64xf32, #tpu.memory_space<hbm>> -> memref<200x64xf32, #tpu.memory_space<hbm>>
      tpu.wait_dma2 semaphore(%arg9 : memref<!tpu.dma_semaphore, #tpu.memory_space<semaphore_mem>>) src(%dma_wait3A_70 : memref<200x64xf32, #tpu.memory_space<hbm>>) dst(%arg6 : memref<200x64xf32, #tpu.memory_space<vmem>>)
      %broadcast_in_dim3A = arith.constant 0.000000e+00 : f32
      %broadcast_in_dim3A_71 = vector.broadcast %broadcast_in_dim3A : f32 to vector<16xf32>
      %scan3A_72 = arith.constant 0 : i32
      %scan3A_73 = arith.constant 200 : i32
      %scan3A_74 = arith.addi %scan3A_72, %scan3A_73 : i32
      %scan3A_75 = arith.constant 1 : i32
      %scan3A_76:4 = scf.for %scan3A_137 = %scan3A_72 to %scan3A_74 step %scan3A_75 iter_args(%scan3A_138 = %broadcast_in_dim3A_71, %scan3A_139 = %broadcast_in_dim3A_71, %scan3A_140 = %broadcast_in_dim3A_71, %scan3A_141 = %broadcast_in_dim3A_71) -> (vector<16xf32>, vector<16xf32>, vector<16xf32>, vector<16xf32>)  : i32 {
        %get3A = arith.index_cast %scan3A_137 : i32 to index
        %get3A_142 = arith.constant 0 : index
        %get3A_143 = tpu.vector_load %arg6[%get3A, %get3A_142] {strides = array<i32>} : memref<200x64xf32, #tpu.memory_space<vmem>>, vector<1x16xf32>,
        %get3A_144 = vector.shape_cast %get3A_143 : vector<1x16xf32> to vector<16xf32>
        %add3A_145 = arith.addf %scan3A_138, %get3A_144 : vector<16xf32>
        %get3A_146 = arith.index_cast %scan3A_137 : i32 to index
        %get3A_147 = arith.constant 16 : index
        %get3A_148 = tpu.vector_load %arg6[%get3A_146, %get3A_147] {strides = array<i32>} : memref<200x64xf32, #tpu.memory_space<vmem>>, vector<1x16xf32>,
        %get3A_149 = vector.shape_cast %get3A_148 : vector<1x16xf32> to vector<16xf32>
        %add3A_150 = arith.addf %scan3A_139, %get3A_149 : vector<16xf32>
        %get3A_151 = arith.index_cast %scan3A_137 : i32 to index
        %get3A_152 = arith.constant 32 : index
        %get3A_153 = tpu.vector_load %arg6[%get3A_151, %get3A_152] {strides = array<i32>} : memref<200x64xf32, #tpu.memory_space<vmem>>, vector<1x16xf32>,
        %get3A_154 = vector.shape_cast %get3A_153 : vector<1x16xf32> to vector<16xf32>
        %add3A_155 = arith.addf %scan3A_140, %get3A_154 : vector<16xf32>
        %get3A_156 = arith.index_cast %scan3A_137 : i32 to index
        %get3A_157 = arith.constant 48 : index
        %get3A_158 = tpu.vector_load %arg6[%get3A_156, %get3A_157] {strides = array<i32>} : memref<200x64xf32, #tpu.memory_space<vmem>>, vector<1x16xf32>,
        %get3A_159 = vector.shape_cast %get3A_158 : vector<1x16xf32> to vector<16xf32>
        %add3A_160 = arith.addf %scan3A_141, %get3A_159 : vector<16xf32>
        scf.yield %add3A_145, %add3A_150, %add3A_155, %add3A_160 : vector<16xf32>, vector<16xf32>, vector<16xf32>, vector<16xf32>
      }
      %scan3A_77 = arith.constant 200 : i32
      %swap3A = arith.index_cast %mul3A_44 : i32 to index
      %swap3A_78 = arith.constant 0 : index
      %swap3A_79 = tpu.vector_load %arg8[%swap3A, %swap3A_78] {strides = array<i32>} : memref<128x64xf32, #tpu.memory_space<vmem>>, vector<1x16xf32>,
      %swap3A_80 = vector.shape_cast %swap3A_79 : vector<1x16xf32> to vector<16xf32>
      %swap3A_81 = vector.shape_cast %scan3A_76#0 : vector<16xf32> to vector<1x16xf32>
      tpu.vector_store %arg8[%swap3A, %swap3A_78], %swap3A_81 {strides = array<i32>} : memref<128x64xf32, #tpu.memory_space<vmem>>, vector<1x16xf32>,
      %swap3A_82 = arith.index_cast %mul3A_44 : i32 to index
      %swap3A_83 = arith.constant 16 : index
      %swap3A_84 = tpu.vector_load %arg8[%swap3A_82, %swap3A_83] {strides = array<i32>} : memref<128x64xf32, #tpu.memory_space<vmem>>, vector<1x16xf32>,
      %swap3A_85 = vector.shape_cast %swap3A_84 : vector<1x16xf32> to vector<16xf32>
      %swap3A_86 = vector.shape_cast %scan3A_76#1 : vector<16xf32> to vector<1x16xf32>
      tpu.vector_store %arg8[%swap3A_82, %swap3A_83], %swap3A_86 {strides = array<i32>} : memref<128x64xf32, #tpu.memory_space<vmem>>, vector<1x16xf32>,
      %swap3A_87 = arith.index_cast %mul3A_44 : i32 to index
      %swap3A_88 = arith.constant 32 : index
      %swap3A_89 = tpu.vector_load %arg8[%swap3A_87, %swap3A_88] {strides = array<i32>} : memref<128x64xf32, #tpu.memory_space<vmem>>, vector<1x16xf32>,
      %swap3A_90 = vector.shape_cast %swap3A_89 : vector<1x16xf32> to vector<16xf32>
      %swap3A_91 = vector.shape_cast %scan3A_76#2 : vector<16xf32> to vector<1x16xf32>
      tpu.vector_store %arg8[%swap3A_87, %swap3A_88], %swap3A_91 {strides = array<i32>} : memref<128x64xf32, #tpu.memory_space<vmem>>, vector<1x16xf32>,
      %swap3A_92 = arith.index_cast %mul3A_44 : i32 to index
      %swap3A_93 = arith.constant 48 : index
      %swap3A_94 = tpu.vector_load %arg8[%swap3A_92, %swap3A_93] {strides = array<i32>} : memref<128x64xf32, #tpu.memory_space<vmem>>, vector<1x16xf32>,
      %swap3A_95 = vector.shape_cast %swap3A_94 : vector<1x16xf32> to vector<16xf32>
      %swap3A_96 = vector.shape_cast %scan3A_76#3 : vector<16xf32> to vector<1x16xf32>
      tpu.vector_store %arg8[%swap3A_92, %swap3A_93], %swap3A_96 {strides = array<i32>} : memref<128x64xf32, #tpu.memory_space<vmem>>, vector<1x16xf32>,
      %add3A_97 = arith.constant 2 : i32
      %add3A_98 = arith.addi %mul3A_44, %add3A_97 : i32
      %lt3A = arith.constant 128 : i32
      %lt3A_99 = arith.cmpi slt, %add3A_98, %lt3A : i32
      %convert_element_type3A = arith.extui %lt3A_99 : i1 to i32
      %cond3A = arith.constant 0 : i32
      %cond3A_100 = arith.cmpi ne, %convert_element_type3A, %cond3A : i32
      scf.if %cond3A_100 {
        %add3A_137 = arith.constant 2 : i32
        %add3A_138 = arith.addi %mul3A_44, %add3A_137 : i32
        %dma_start3A_139 = arith.constant 0 : i32
        %dma_start3A_140 = arith.constant 0 : i32
        %dma_start3A_141 = tpu.memref_slice %arg6[%dma_start3A_139, %dma_start3A_140] : memref<200x64xf32, #tpu.memory_space<vmem>> -> memref<104x64xf32, #tpu.memory_space<vmem>>
        %dma_start3A_142 = arith.constant 0 : i32
        %dma_start3A_143 = tpu.memref_slice %arg5[%add3A_138, %dma_start3A_142] : memref<128x200xi32, #tpu.memory_space<vmem>> -> memref<1x104xi32, #tpu.memory_space<vmem>>
        %dma_start3A_144 = tpu.memref_squeeze %dma_start3A_143 : memref<1x104xi32, #tpu.memory_space<vmem>> -> memref<104xi32, #tpu.memory_space<vmem>>
        %dma_start3A_145 = arith.constant 0 : i32
        %dma_start3A_146 = arith.constant 0 : i32
        %dma_start3A_147 = tpu.memref_slice %arg3[%dma_start3A_145, %dma_start3A_146] : memref<1000000x64xf32, #tpu.memory_space<hbm>> -> memref<1000000x64xf32, #tpu.memory_space<hbm>>
        tpu.enqueue_indirect_dma source(%dma_start3A_147 : memref<1000000x64xf32, #tpu.memory_space<hbm>>) target(%dma_start3A_141 : memref<104x64xf32, #tpu.memory_space<vmem>>) offsets(%dma_start3A_144 : memref<104xi32, #tpu.memory_space<vmem>>) semaphore(%arg9 : memref<!tpu.dma_semaphore, #tpu.memory_space<semaphore_mem>>)
        %dma_start3A_148 = arith.constant 104 : i32
        %dma_start3A_149 = arith.constant 0 : i32
        %dma_start3A_150 = tpu.memref_slice %arg6[%dma_start3A_148, %dma_start3A_149] : memref<200x64xf32, #tpu.memory_space<vmem>> -> memref<96x64xf32, #tpu.memory_space<vmem>>
        %dma_start3A_151 = arith.constant 104 : i32
        %dma_start3A_152 = tpu.memref_slice %arg5[%add3A_138, %dma_start3A_151] : memref<128x200xi32, #tpu.memory_space<vmem>> -> memref<1x96xi32, #tpu.memory_space<vmem>>
        %dma_start3A_153 = tpu.memref_squeeze %dma_start3A_152 : memref<1x96xi32, #tpu.memory_space<vmem>> -> memref<96xi32, #tpu.memory_space<vmem>>
        %dma_start3A_154 = arith.constant 0 : i32
        %dma_start3A_155 = arith.constant 0 : i32
        %dma_start3A_156 = tpu.memref_slice %arg3[%dma_start3A_154, %dma_start3A_155] : memref<1000000x64xf32, #tpu.memory_space<hbm>> -> memref<1000000x64xf32, #tpu.memory_space<hbm>>
        tpu.enqueue_indirect_dma source(%dma_start3A_156 : memref<1000000x64xf32, #tpu.memory_space<hbm>>) target(%dma_start3A_150 : memref<96x64xf32, #tpu.memory_space<vmem>>) offsets(%dma_start3A_153 : memref<96xi32, #tpu.memory_space<vmem>>) semaphore(%arg9 : memref<!tpu.dma_semaphore, #tpu.memory_space<semaphore_mem>>)
      } else {
      }
      %dma_wait3A_101 = arith.constant 0 : i32
      %dma_wait3A_102 = arith.constant 0 : i32
      %dma_wait3A_103 = tpu.memref_slice %arg3[%dma_wait3A_101, %dma_wait3A_102] : memref<1000000x64xf32, #tpu.memory_space<hbm>> -> memref<200x64xf32, #tpu.memory_space<hbm>>
      %dma_wait3A_104 = arith.constant 0 : i32
      %dma_wait3A_105 = arith.constant 0 : i32
      %dma_wait3A_106 = tpu.memref_slice %arg3[%dma_wait3A_104, %dma_wait3A_105] : memref<1000000x64xf32, #tpu.memory_space<hbm>> -> memref<200x64xf32, #tpu.memory_space<hbm>>
      tpu.wait_dma2 semaphore(%arg10 : memref<!tpu.dma_semaphore, #tpu.memory_space<semaphore_mem>>) src(%dma_wait3A_106 : memref<200x64xf32, #tpu.memory_space<hbm>>) dst(%arg7 : memref<200x64xf32, #tpu.memory_space<vmem>>)
      %add3A_107 = arith.constant 1 : i32
      %add3A_108 = arith.addi %mul3A_44, %add3A_107 : i32
      %broadcast_in_dim3A_109 = arith.constant 0.000000e+00 : f32
      %broadcast_in_dim3A_110 = vector.broadcast %broadcast_in_dim3A_109 : f32 to vector<16xf32>
      %scan3A_111 = arith.constant 0 : i32
      %scan3A_112 = arith.constant 200 : i32
      %scan3A_113 = arith.addi %scan3A_111, %scan3A_112 : i32
      %scan3A_114 = arith.constant 1 : i32
      %scan3A_115:4 = scf.for %scan3A_137 = %scan3A_111 to %scan3A_113 step %scan3A_114 iter_args(%scan3A_138 = %broadcast_in_dim3A_110, %scan3A_139 = %broadcast_in_dim3A_110, %scan3A_140 = %broadcast_in_dim3A_110, %scan3A_141 = %broadcast_in_dim3A_110) -> (vector<16xf32>, vector<16xf32>, vector<16xf32>, vector<16xf32>)  : i32 {
        %get3A = arith.index_cast %scan3A_137 : i32 to index
        %get3A_142 = arith.constant 0 : index
        %get3A_143 = tpu.vector_load %arg7[%get3A, %get3A_142] {strides = array<i32>} : memref<200x64xf32, #tpu.memory_space<vmem>>, vector<1x16xf32>,
        %get3A_144 = vector.shape_cast %get3A_143 : vector<1x16xf32> to vector<16xf32>
        %add3A_145 = arith.addf %scan3A_138, %get3A_144 : vector<16xf32>
        %get3A_146 = arith.index_cast %scan3A_137 : i32 to index
        %get3A_147 = arith.constant 16 : index
        %get3A_148 = tpu.vector_load %arg7[%get3A_146, %get3A_147] {strides = array<i32>} : memref<200x64xf32, #tpu.memory_space<vmem>>, vector<1x16xf32>,
        %get3A_149 = vector.shape_cast %get3A_148 : vector<1x16xf32> to vector<16xf32>
        %add3A_150 = arith.addf %scan3A_139, %get3A_149 : vector<16xf32>
        %get3A_151 = arith.index_cast %scan3A_137 : i32 to index
        %get3A_152 = arith.constant 32 : index
        %get3A_153 = tpu.vector_load %arg7[%get3A_151, %get3A_152] {strides = array<i32>} : memref<200x64xf32, #tpu.memory_space<vmem>>, vector<1x16xf32>,
        %get3A_154 = vector.shape_cast %get3A_153 : vector<1x16xf32> to vector<16xf32>
        %add3A_155 = arith.addf %scan3A_140, %get3A_154 : vector<16xf32>
        %get3A_156 = arith.index_cast %scan3A_137 : i32 to index
        %get3A_157 = arith.constant 48 : index
        %get3A_158 = tpu.vector_load %arg7[%get3A_156, %get3A_157] {strides = array<i32>} : memref<200x64xf32, #tpu.memory_space<vmem>>, vector<1x16xf32>,
        %get3A_159 = vector.shape_cast %get3A_158 : vector<1x16xf32> to vector<16xf32>
        %add3A_160 = arith.addf %scan3A_141, %get3A_159 : vector<16xf32>
        scf.yield %add3A_145, %add3A_150, %add3A_155, %add3A_160 : vector<16xf32>, vector<16xf32>, vector<16xf32>, vector<16xf32>
      }
      %scan3A_116 = arith.constant 200 : i32
      %swap3A_117 = arith.index_cast %add3A_108 : i32 to index
      %swap3A_118 = arith.constant 0 : index
      %swap3A_119 = tpu.vector_load %arg8[%swap3A_117, %swap3A_118] {strides = array<i32>} : memref<128x64xf32, #tpu.memory_space<vmem>>, vector<1x16xf32>,
      %swap3A_120 = vector.shape_cast %swap3A_119 : vector<1x16xf32> to vector<16xf32>
      %swap3A_121 = vector.shape_cast %scan3A_115#0 : vector<16xf32> to vector<1x16xf32>
      tpu.vector_store %arg8[%swap3A_117, %swap3A_118], %swap3A_121 {strides = array<i32>} : memref<128x64xf32, #tpu.memory_space<vmem>>, vector<1x16xf32>,
      %swap3A_122 = arith.index_cast %add3A_108 : i32 to index
      %swap3A_123 = arith.constant 16 : index
      %swap3A_124 = tpu.vector_load %arg8[%swap3A_122, %swap3A_123] {strides = array<i32>} : memref<128x64xf32, #tpu.memory_space<vmem>>, vector<1x16xf32>,
      %swap3A_125 = vector.shape_cast %swap3A_124 : vector<1x16xf32> to vector<16xf32>
      %swap3A_126 = vector.shape_cast %scan3A_115#1 : vector<16xf32> to vector<1x16xf32>
      tpu.vector_store %arg8[%swap3A_122, %swap3A_123], %swap3A_126 {strides = array<i32>} : memref<128x64xf32, #tpu.memory_space<vmem>>, vector<1x16xf32>,
      %swap3A_127 = arith.index_cast %add3A_108 : i32 to index
      %swap3A_128 = arith.constant 32 : index
      %swap3A_129 = tpu.vector_load %arg8[%swap3A_127, %swap3A_128] {strides = array<i32>} : memref<128x64xf32, #tpu.memory_space<vmem>>, vector<1x16xf32>,
      %swap3A_130 = vector.shape_cast %swap3A_129 : vector<1x16xf32> to vector<16xf32>
      %swap3A_131 = vector.shape_cast %scan3A_115#2 : vector<16xf32> to vector<1x16xf32>
      tpu.vector_store %arg8[%swap3A_127, %swap3A_128], %swap3A_131 {strides = array<i32>} : memref<128x64xf32, #tpu.memory_space<vmem>>, vector<1x16xf32>,
      %swap3A_132 = arith.index_cast %add3A_108 : i32 to index
      %swap3A_133 = arith.constant 48 : index
      %swap3A_134 = tpu.vector_load %arg8[%swap3A_132, %swap3A_133] {strides = array<i32>} : memref<128x64xf32, #tpu.memory_space<vmem>>, vector<1x16xf32>,
      %swap3A_135 = vector.shape_cast %swap3A_134 : vector<1x16xf32> to vector<16xf32>
      %swap3A_136 = vector.shape_cast %scan3A_115#3 : vector<16xf32> to vector<1x16xf32>
      tpu.vector_store %arg8[%swap3A_132, %swap3A_133], %swap3A_136 {strides = array<i32>} : memref<128x64xf32, #tpu.memory_space<vmem>>, vector<1x16xf32>,
    }
    %scan3A_33 = arith.constant 64 : i32
    %dma_start3A_34 = arith.constant 0 : i32
    %dma_start3A_35 = tpu.memref_slice %arg4[%mul3A_2, %dma_start3A_34] : memref<4096x64xf32, #tpu.memory_space<hbm>> -> memref<128x64xf32, #tpu.memory_space<hbm>>
    %dma_start3A_36 = arith.constant 0 : i32
    %dma_start3A_37 = tpu.memref_slice %arg4[%mul3A_2, %dma_start3A_36] : memref<4096x64xf32, #tpu.memory_space<hbm>> -> memref<128x64xf32, #tpu.memory_space<hbm>>
    tpu.enqueue_dma source(%arg8 : memref<128x64xf32, #tpu.memory_space<vmem>>) target(%dma_start3A_37 : memref<128x64xf32, #tpu.memory_space<hbm>>) target_semaphore(%arg11 : memref<!tpu.dma_semaphore, #tpu.memory_space<semaphore_mem>>)
    %dma_wait3A_38 = arith.constant 0 : i32
    %dma_wait3A_39 = tpu.memref_slice %arg4[%mul3A_2, %dma_wait3A_38] : memref<4096x64xf32, #tpu.memory_space<hbm>> -> memref<128x64xf32, #tpu.memory_space<hbm>>
    %dma_wait3A_40 = arith.constant 0 : i32
    %dma_wait3A_41 = tpu.memref_slice %arg4[%mul3A_2, %dma_wait3A_40] : memref<4096x64xf32, #tpu.memory_space<hbm>> -> memref<128x64xf32, #tpu.memory_space<hbm>>
    tpu.wait_dma2 semaphore(%arg11 : memref<!tpu.dma_semaphore, #tpu.memory_space<semaphore_mem>>) src(%arg8 : memref<128x64xf32, #tpu.memory_space<vmem>>) dst(%dma_wait3A_41 : memref<128x64xf32, #tpu.memory_space<hbm>>)
    return
  }
}

module attributes {stable_mosaic.version = 14 : i64} {
  func.func @_tc_linear(%arg0: memref<4096x64xf32, #tpu.memory_space<vmem>>, %arg1: memref<64x16xf32, #tpu.memory_space<vmem>>, %arg2: memref<1x16xf32, #tpu.memory_space<vmem>>, %arg3: memref<4096x16xf32, #tpu.memory_space<vmem>>) attributes {dimension_semantics = [], scalar_prefetch = 0 : i64, scratch_operands = 0 : i64, tpu.core_type = #tpu.core_type<tc>} {
    %get3A = arith.constant 0 : index
    %get3A_0 = arith.constant 0 : index
    %get3A_1 = vector.load %arg0[%get3A, %get3A_0] : memref<4096x64xf32, #tpu.memory_space<vmem>>, vector<4096x64xf32>
    %get3A_2 = arith.constant 0 : index
    %get3A_3 = arith.constant 0 : index
    %get3A_4 = vector.load %arg1[%get3A_2, %get3A_3] : memref<64x16xf32, #tpu.memory_space<vmem>>, vector<64x16xf32>
    %dot_general3A = arith.constant dense<0.000000e+00> : vector<4096x16xf32>
    %dot_general3A_5 = tpu.matmul %get3A_1, %get3A_4, %dot_general3A {dimension_numbers = #tpu.dot_dimension_numbers<[1], [0], [0], [1], [0, 0, 1, 1], [], []>, transpose_lhs_hint = false} : vector<4096x64xf32>, vector<64x16xf32>, vector<4096x16xf32> -> vector<4096x16xf32>
    %get3A_6 = arith.constant 0 : index
    %get3A_7 = arith.constant 0 : index
    %get3A_8 = vector.load %arg2[%get3A_6, %get3A_7] : memref<1x16xf32, #tpu.memory_space<vmem>>, vector<1x16xf32>
    %add3A = vector.broadcast %get3A_8 : vector<1x16xf32> to vector<4096x16xf32>
    %add3A_9 = arith.addf %dot_general3A_5, %add3A : vector<4096x16xf32>
    %swap3A = arith.constant 0 : index
    %swap3A_10 = arith.constant 0 : index
    %swap3A_11 = vector.load %arg3[%swap3A, %swap3A_10] : memref<4096x16xf32, #tpu.memory_space<vmem>>, vector<4096x16xf32>
    tpu.vector_store %arg3[%swap3A, %swap3A_10], %add3A_9 {strides = array<i32>} : memref<4096x16xf32, #tpu.memory_space<vmem>>, vector<4096x16xf32>,
    return
  }
}

</mosaic_0001>

<sc_bundles>
// kernel: _run.4.cloned.1.call-start
scs
__scs_entry_jumppad:
0x0: {  	(pc) =	sbr.rel $0x88, $3  }
0x1: {  	(tag) =	ssettag $0x0;
	lr =	simm.s32 $0x1  }
0x2: {  	[smem:$0x3F9D] =	sst lr;
	_ =	strace $0xD0000000  }
0x3: {  	_ = 	snop  }
0x4: {  	_ = 	snop  }
0x5: {  	_ = 	snop  }
0x6: {  	_ = 	snop  }
0x7: {  	_ = 	snop  }
__scs_overlays_trampoline_lowered:
0x8: {  	[smem:$0x3FAC] =	sst s0  }
0x9: {  	[smem:$0x3FAD] =	sst s1  }
0xa: {  	[smem:$0x3FAE] =	sst s2  }
0xb: {  	[smem:$0x3FAF] =	sst s3  }
0xc: {  	[smem:$0x3FB0] =	sst s4  }
0xd: {  	[smem:$0x3FB1] =	sst s5  }
0xe: {  	[smem:$0x3FB2] =	sst s6  }
0xf: {  	[smem:$0x3FB3] =	sst s7  }
0x10: {  	[smem:$0x3FB4] =	sst s8  }
0x11: {  	[smem:$0x3FB5] =	sst s9;
	s0 =	simm.s32 @!p0 $0x0  }
0x12: {  	s1 =	sld [smem:$0x3F9B];
	s0 =	simm.s32 @p0 $0x1  }
0x13: {  	[smem:$0x3FB6] =	sst s0;
	s0 =	simm.s32 @!p1 $0x0  }
0x14: {  	s2 =	sld [smem:$0x3F9A];
	s0 =	simm.s32 @p1 $0x1  }
0x15: {  	[smem:$0x3FB7] =	sst s0;
	s0 =	simm.s32 @!p2 $0x0  }
0x16: {  	s3 =	sld [smem:$0x3FDB];
	s0 =	simm.s32 @p2 $0x1  }
0x17: {  	s4 =	simm.s32 $0x1BF5;
	[smem:$0x3FB9] =	sst s0  }
0x18: {  	s0 =	sld [smem:$0x3F9C];
	_ =	swait.ge [sflag:s4], $0x0  }
0x19: {  	s7 =	sld [smem:$0x3F9D]  }
0x1a: {  	s8 =	sadd.s32 $0xFFFFE003, lr  }
0x1b: {  	s9 =	sadd.s32 $0xFFFFFEF7, lr;
	s5 =	simm.s32 $0xFFFFFFFF;
	p2 =	slt.u32 s8, $0xFFFFF086  }
0x1c: {  	p1 =	slt.u32 s9, $0xF7A;
	s5 =	simm.s32 @!p2 $0x0  }
0x1d: {  	s5 =	simm.s32 @p1 $0x1;
	p0 =	seq.s32 s7, s2  }
0x1e: {  	s7 =	smul.u32 @!p0 $0xF7A, s2;
	p2 =	seq.s32 @!p0 s5, $0x0  }
0x1f: {  	s9 =	smul.u32 $0xF7A, s1;
	s8 =	simm.s32 @!p0 $0x1BF5;
	p2 =	por !p2, p0  }
0x20: {  	[sflag:s8] =	ssyncset.s32 @!p0 $0xFFFFF086;
	s6 =	sadd.s32 @!p0 s3, s7;
	s7 =	simm.s32 @!p0 $0x108  }
0x21: {  	s3 =	sadd.s32 s3, s9;
	s6 =	sadd.s32 @!p0 $0x88, s6;
	s7 =	simm.s32 @p2 $0x1082  }
0x22: {  	[simem:s7], [sflag:s8] =	dma.local @!p0 [hbm:s6], $0xF7A  }
0x23: {  	s9 =	sor.u32 $0xD0000000, s2;
	s6 =	simm.s32 $0x108;
	_ =	swait.ge @!p0 [sflag:s8], $0x0  }
0x24: {  	s3 =	sadd.s32 $0x88, s3;
	s6 =	simm.s32 @!p1 $0x1082;
	[sflag:s4] =	ssyncset.s32 $0xFFFFF086  }
0x25: {  	[simem:s6], [sflag:s4] =	dma.local [hbm:s3], $0xF7A  }
0x26: {  	[smem:$0x3F9D] =	sst s1;
	(tag) =	ssettag s2;
	_ =	strace s9  }
0x27: {  	s1 =	sld [smem:$0x3FAD]  }
0x28: {  	s2 =	sld [smem:$0x3FAE]  }
0x29: {  	s4 =	sld [smem:$0x3FB0]  }
0x2a: {  	p0 =	seq.s32 s5, $0x0;
	s5 =	sld [smem:$0x3FB1]  }
0x2b: {  	s6 =	sld [smem:$0x3FB2]  }
0x2c: {  	s7 =	sld [smem:$0x3FB3]  }
0x2d: {  	s3 =	simm.s32 $0x108;
	s8 =	sld [smem:$0x3FB4]  }
0x2e: {  	s3 =	simm.s32 @!p0 $0x1082;
	s9 =	sld [smem:$0x3FB5]  }
0x2f: {  	lr =	sadd.s32 s0, s3;
	s0 =	sld [smem:$0x3FAC]  }
0x30: {  	s3 =	sld [smem:$0x3FAF]  }
0x31: {  	[smem:$0x3FB8] =	sst s10  }
0x32: {  	s10 =	sld [smem:$0x3FB6];
	_ =	sdelay $0x3  }
0x33: {  	p0 =	seq.s32 s10, $0x1;
	s10 =	sld [smem:$0x3FB8];
	_ =	sdelay $0x3  }
0x34: {  	[smem:$0x3FB8] =	sst s10  }
0x35: {  	s10 =	sld [smem:$0x3FB7];
	_ =	sdelay $0x3  }
0x36: {  	p1 =	seq.s32 s10, $0x1;
	s10 =	sld [smem:$0x3FB8];
	_ =	sdelay $0x3  }
0x37: {  	[smem:$0x3FB8] =	sst s10  }
0x38: {  	s10 =	sld [smem:$0x3FB9]  }
0x39: {  	_ = 	snop;
	(pc) =	sbr.ind lr, $3  }
0x3a: {  	_ = 	snop  }
0x3b: {  	_ = 	snop  }
0x3c: {  	p2 =	seq.s32 s10, $0x1;
	s10 =	sld [smem:$0x3FB8]  }
0x3d: {  	_ =	shalt  }
0x3e: {  	_ =	shalt  }
0x3f: {  	_ =	shalt  }
0x40: {  	_ =	shalt  }
0x41: {  	_ =	shalt  }
0x42: {  	_ =	shalt  }
0x43: {  	_ =	shalt  }
0x44: {  	_ =	shalt  }
0x45: {  	_ =	shalt  }
0x46: {  	_ =	shalt  }
0x47: {  	_ =	shalt  }
0x48: {  	_ =	shalt  }
0x49: {  	_ =	shalt  }
0x4a: {  	_ =	shalt  }
0x4b: {  	_ =	shalt  }
0x4c: {  	_ =	shalt  }
0x4d: {  	_ =	shalt  }
0x4e: {  	_ =	shalt  }
0x4f: {  	_ =	shalt  }
0x50: {  	_ =	shalt  }
0x51: {  	_ =	shalt  }
0x52: {  	_ =	shalt  }
0x53: {  	_ =	shalt  }
0x54: {  	_ =	shalt  }
0x55: {  	_ =	shalt  }
0x56: {  	_ =	shalt  }
0x57: {  	_ =	shalt  }
0x58: {  	_ =	shalt  }
0x59: {  	_ =	shalt  }
0x5a: {  	_ =	shalt  }
0x5b: {  	_ =	shalt  }
0x5c: {  	_ =	shalt  }
0x5d: {  	_ =	shalt  }
0x5e: {  	_ =	shalt  }
0x5f: {  	_ =	shalt  }
0x60: {  	_ =	shalt  }
0x61: {  	_ =	shalt  }
0x62: {  	_ =	shalt  }
0x63: {  	_ =	shalt  }
0x64: {  	_ =	shalt  }
0x65: {  	_ =	shalt  }
0x66: {  	_ =	shalt  }
0x67: {  	_ =	shalt  }
0x68: {  	_ =	shalt  }
0x69: {  	_ =	shalt  }
0x6a: {  	_ =	shalt  }
0x6b: {  	_ =	shalt  }
0x6c: {  	_ =	shalt  }
0x6d: {  	_ =	shalt  }
0x6e: {  	_ =	shalt  }
0x6f: {  	_ =	shalt  }
0x70: {  	_ =	shalt  }
0x71: {  	_ =	shalt  }
0x72: {  	_ =	shalt  }
0x73: {  	_ =	shalt  }
0x74: {  	_ =	shalt  }
0x75: {  	_ =	shalt  }
0x76: {  	_ =	shalt  }
0x77: {  	_ =	shalt  }
0x78: {  	_ =	shalt  }
0x79: {  	_ =	shalt  }
0x7a: {  	_ =	shalt  }
0x7b: {  	_ =	shalt  }
0x7c: {  	_ =	shalt  }
0x7d: {  	_ =	shalt  }
0x7e: {  	_ =	shalt  }
0x7f: {  	_ =	shalt  }
0x80: {  	_ =	shalt  }
0x81: {  	_ =	shalt  }
0x82: {  	_ =	shalt  }
0x83: {  	_ =	shalt  }
0x84: {  	_ =	shalt  }
0x85: {  	_ =	shalt  }
0x86: {  	_ =	shalt  }
0x87: {  	_ =	shalt  }
.Lfunc_end0:
.L_simem_size_0:
called_computation_lowered:
.L_overlay_start_0:
0x88: {  	s2 =	sld [smem:$0x3FD9]  }
0x89: {  	s3 =	sld [smem:$0x3FFE];
	_ =	sdelay $0x1  }
0x8a: {  	s1 =	srdreg.scid  }
0x8b: {  	s0 =	sand.u32 $0x1, s1  }
0x8c: {  	s16 =	sshll.u32 s0, $0xA;
	s2 =	sadd.s32 s3, s2  }
0x8d: {  	s2 =	sadd.s32 s2, s16  }
0x8e: {  	[smem:$0x3FC4] =	sst s2  }
0x8f: {  	_ = 	snop  }
0x90: {  	(tm) =	ssettm $0x1  }
0x91: {  	s17 =	sld [smem:$0x3FFB];
	_ =	sdelay $0x3  }
0x92: {  	_ =	strace s17  }
0x93: {  	s2 =	sld [smem:$0x3FFC];
	_ =	sdelay $0x3  }
0x94: {  	_ =	strace s2  }
0x95: {  	s2 =	sld [smem:$0x3FFD];
	_ =	sdelay $0x3  }
0x96: {  	_ =	strace s2  }
0x97: {  	_ =	strace $0x8FFFFFFF  }
0x98: {  	s18 =	sld [smem:$0x3FDB];
	_ =	sdelay $0x1  }
0x99: {  	s19 =	simm.s32 $_scs_section_size  }
0x9a: {  	s4 =	simm.s32 $_size__tile_overlayer_lowered;
	s5 =	simm.s32 $_tile_overlayer_lowered  }
0x9b: {  	s22 =	simm.s32 $0x1BFF;
	s21 =	sshll.u32 s5, $0x1;
	s2 =	sadd.s32 s19, s18  }
0x9c: {  	s6 =	simm.s32 $0x0;
	s20 =	sshll.u32 s4, $0x1;
	s4 =	sadd.s32 s21, s2  }
0x9d: {  	[timem:s6], [sflag:s22] =	dma.local [hbm:s4], s20  }
0x9e: {  	_ =	swait.ge [sflag:s22], s20  }
0x9f: {  	s3 =	ssub.s32 $0x0, s20;
	[sflag:s22] =	ssyncset.done $0x0  }
0xa0: {  	[sflag:s22] =	ssyncadd.s32 s3;
	_ =	sdelay $0x1  }
0xa1: {  	s23 =	simm.s32 $0x1B8B  }
0xa2: {  	_ =	swait.ge [sflag:s23], $0x1  }
0xa3: {  	[sflag:s23] =	ssyncset.done $0x0  }
0xa4: {  	s25 =	simm.s32 $0x1B8E;
	s24 =	sld [smem:$0x3FFE];
	[sflag:s23] =	ssyncadd.s32 $0xFFFFFFFF  }
0xa5: {  	s26 =	simm.s32 $execute0_lowered;
	[smem:$0x3FD2] =	sst s25  }
0xa6: {  	s4 =	sshll.u32 s26, $0x1;
	_ =	strace $0x80000046;
	[dreg:$0x1] =	wrdreg $0xFFFFFFFF  }
0xa7: {  	s28 =	simm.s32 $_size_execute0_lowered;
	s2 =	sadd.s32 s2, s4;
	[dreg:$0x0] =	wrdreg $0x0  }
0xa8: {  	s4 =	sshll.u32 s28, $0x1;
	[dreg:$0x2] =	wrdreg s2  }
0xa9: {  	[dreg:$0x3] =	wrdreg s4  }
0xaa: {  	[dreg:$0x4] =	wrdreg $0xC0  }
0xab: {  	_ =	task [dreg:s6], $0x5FFFF  }
0xac: {  	[dreg:$0x1] =	wrdreg $0xFFFFFFFF  }
0xad: {  	[dreg:$0x0] =	wrdreg $0x60  }
0xae: {  	[dreg:$0x2] =	wrdreg s24  }
0xaf: {  	[dreg:$0x3] =	wrdreg $0x9  }
0xb0: {  	_ =	task.clear_ibuf [dreg:s6], $0x4FFFF;
	_ =	strace $0x90000046  }
0xb1: {  	s29 =	simm.s32 $0x9;
	_ =	strace $0x80000048  }
0xb2: {  	_ =	swait.ge [sflag:s29], $0x1  }
0xb3: {  	[sflag:s29] =	ssyncadd.s32 $0xFFFFFFFF  }
0xb4: {  	_ =	strace $0x90000048  }
0xb5: {  	_ =	sfence  }
0xb6: {  	s30 =	sld [smem:$0x0];
	_ =	sdelay $0x2  }
0xb7: {  	s31 =	sshll.u32 s1, $0xD;
	s1 =	sshrl.u32 s1, $0x2  }
0xb8: {  	s3 =	sand.u32 $0x4000, s31;
	s1 =	sadd.s32 s1, s30  }
0xb9: {  	s0 =	sor.u32 s3, s0;
	s1 =	sshll.u32 s1, $0x11  }
0xba: {  	s0 =	sor.u32 s1, s0  }
0xbb: {  	s0 =	sadd.s32 $0x8F2B, s0  }
0xbc: {  	[sflag:s0] =	ssyncadd.remote.s32 $0x1  }
0xbd: {  	_ =	sfence.sel $0xFFFF  }
0xbe: {  	[dreg:$0x0] =	wrdreg $0xFFFFFFFF;
	(pc) =	sbr.abs _section_cstart, $3  }
0xbf: {  	[dreg:$0x1] =	wrdreg $0xFFFFFFFF  }
0xc0: {  	_ =	task.clear_ibuf [dreg:s6], $0x2FFFF;
	_ =	strace $0x9FFFFFFF  }
0xc1: {  	(tm) =	ssettm $0x7FFFFFFF  }
tec
execute0_lowered:
.L_overlay_start_1:
0x0: {  	(tag) =	ssettag $0x1  }
0x1: {  	s1 =	srdreg.scid  }
0x2: {  	s0 =	stileid.u32;
	s4 =	rddreg [dreg:$0x0]  }
0x3: {  	s2 =	simm.s32 $0x0;
	s8 =	simm.s32 $0x68;
	s9 =	simm.s32 $0x6400  }
0x4: {  	s10 =	simm.s32 $0x60;
	s11 =	simm.s32 $0x7E00;
	s12 =	simm.s32 $0x9600  }
0x5: {  	s13 =	simm.s32 $0xB000;
	s14 =	simm.s32 $0x1;
	s15 =	simm.s32 $0x2  }
0x6: {  	s16 =	simm.s32 $0xC800;
	s17 =	simm.s32 $0x0;
	s3 =	sand.u32 $0x1, s1  }
0x7: {  	s5 =	sshll.u32 s0, $0x8;
	[smem:$0x7FF] =	sst s2;
	s6 =	sshll.u32 s3, $0x7  }
0x8: {  	s1 =	rddreg [dreg:$0x1];
	_ =	strace $0x80000047;
	s5 =	sor.u32 s6, s5  }
0x9: {  	s7 =	ssub.s32 $0x2, s3;
	s6 =	smul.u32 $0x19, s5;
	s5 =	sshll.u32 s5, $0x3  }
0xa: {  	s3 =	sadd.s32 $0xF42E00, s4;
	s31 =	sshrl.u32 s7, $0x1;
	s5 =	sadd.s32 s5, s4  }
0xb: {  	s7 =	ssub.s32 s7, s31;
	s6 =	sadd.s32 s6, s4;
	s5 =	sadd.s32 $0x19A00, s5  }
0xc: {  	s4 =	sadd.s32 $0xA00, s6;
	s6 =	smax.u32 s7, $0x1;
	s7 =	simm.s32 $0x3  }
.LBB2_1:
0xd: {  	[tilespmem:s2], [sflag:$0x3] =	stream.linear.gather [hbm4b:s4+s2], $0x6400, $0x38;
	[tilespmem:$0xE800] =	vst v63  }
0xe: {  	_ =	swait.ge [sflag:s7], $0x6400  }
0xf: {  	[sflag:s7] =	ssyncset.done $0x0  }
0x10: {  	[sflag:s7] =	ssyncadd.s32 $0xFFFF9C00  }
0x11: {  	[tilespmem:s9], [sflag:$0x1] =	stream.indirect.gather [hbm4b:s3+s8], $0x40, s2, s8, $0xb8;
	[tilespmem:$0xE800] =	vst v63  }
0x12: {  	s18 =	simm.s32 $0x0  }
0x13: {  	[tilespmem:s11], [sflag:$0x1] =	stream.indirect.gather [hbm4b:s3+s10], $0x40, s8, s10, $0xb8;
	[tilespmem:$0xE800] =	vst v63  }
.LBB2_2:
0x14: {  	s19 =	sshllo.u32 s18, $0x1  }
0x15: {  	s20 =	smul.u32 $0x320, s19;
	_ =	sdelay $0x1  }
0x16: {  	s20 =	sshra.s32 s20, $0x2  }
0x17: {  	[tilespmem:s12], [sflag:$0x2] =	stream.indirect.gather [hbm4b:s3+s8], $0x40, s20, s8, $0xb8;
	[tilespmem:$0xE800] =	vst v63  }
0x18: {  	s20 =	sadd.s32 $0x68, s20  }
0x19: {  	[tilespmem:s13], [sflag:$0x2] =	stream.indirect.gather [hbm4b:s3+s10], $0x40, s20, s10, $0xb8;
	[tilespmem:$0xE800] =	vst v63  }
0x1a: {  	_ =	swait.ge [sflag:s14], $0x3200  }
0x1b: {  	[sflag:s14] =	ssyncset.done $0x0  }
0x1c: {  	s21 =	simm.s32 $0x0;
	[sflag:s14] =	ssyncadd.s32 $0xFFFFCE00  }
0x1d: {  	v1 =	vld [tilespmem:s21+$0x6430]  }
0x1e: {  	v3 =	vld [tilespmem:s21+$0x6400]  }
0x1f: {  	v0 =	vimm.f32 $0.0e+00;
	v4 =	vld [tilespmem:s21+$0x6410]  }
0x20: {  	v7 =	vimm.f32 $0.0e+00;
	v6 =	vimm.f32 $0.0e+00;
	v5 =	vimm.f32 $0.0e+00;
	s20 =	simm.s32 $0x100;
	v2 =	vld [tilespmem:s21+$0x6420]  }
.LBB2_3:
0x21: {  	p0 =	sne.s32 s20, $0xC700  }
.Ltmp0:
0x22: {  	s21 =	sshra.s32 s20, $0x2;
	s20 =	sadd.s32 $0x100, s20;
	v0 =	vadd.f32 v1, v0;
	(pc) =	sbr.rel @p0 .LBB2_3-.Ltmp0, $4  }
0x23: {  	v1 =	vld [tilespmem:s21+$0x6430];
	v7 =	vadd.f32 v3, v7  }
0x24: {  	v3 =	vld [tilespmem:s21+$0x6400];
	v6 =	vadd.f32 v4, v6  }
0x25: {  	v4 =	vld [tilespmem:s21+$0x6410];
	v5 =	vadd.f32 v2, v5  }
0x26: {  	v2 =	vld [tilespmem:s21+$0x6420]  }
0x27: {  	_ = 	snop  }
0x28: {  	s20 =	sshll.u32 s18, $0x7;
	v0 =	vadd.f32 v1, v0  }
0x29: {  	p0 =	seq.s32 s18, $0x3F;
	s20 =	sand.u32 $0x3FFFFF80, s20;
	v3 =	vadd.f32 v3, v7  }
0x2a: {  	s21 =	smul.u32 @!p0 $0x640, s18;
	v4 =	vadd.f32 v4, v6;
	[tilespmem:s20+$0xC830] =	vst v0  }
0x2b: {  	v2 =	vadd.f32 v2, v5;
	[tilespmem:s20+$0xC800] =	vst v3  }
0x2c: {  	s21 =	sshra.s32 @!p0 s21, $0x2;
	[tilespmem:s20+$0xC810] =	vst v4  }
0x2d: {  	s22 =	simm.s32 @!p0 $0x68;
	s23 =	simm.s32 @!p0 $0x6400;
	[tilespmem:s20+$0xC820] =	vst v2;
	s20 =	sadd.s32 @!p0 $0x190, s21  }
0x2e: {  	[tilespmem:s23], [sflag:$0x1] =	stream.indirect.gather @!p0 [hbm4b:s3+s22], $0x40, s20, s22, $0xb8;
	[tilespmem:$0xE800] =	vst v63  }
0x2f: {  	s20 =	sadd.s32 @!p0 $0x1F8, s21;
	s21 =	simm.s32 @!p0 $0x60;
	s22 =	simm.s32 @!p0 $0x7E00  }
0x30: {  	[tilespmem:s22], [sflag:$0x1] =	stream.indirect.gather @!p0 [hbm4b:s3+s21], $0x40, s20, s21, $0xb8;
	[tilespmem:$0xE800] =	vst v63  }
0x31: {  	_ =	swait.ge [sflag:s15], $0x3200  }
0x32: {  	[sflag:s15] =	ssyncset.done $0x0  }
0x33: {  	s31 =	simm.s32 $0x0;
	[sflag:s15] =	ssyncadd.s32 $0xFFFFCE00  }
0x34: {  	v1 =	vld [tilespmem:s31+$0x9630]  }
0x35: {  	v2 =	vld [tilespmem:s31+$0x9600]  }
0x36: {  	v7 =	vimm.f32 $0.0e+00;
	v3 =	vld [tilespmem:s31+$0x9610]  }
0x37: {  	v0 =	vimm.f32 $0.0e+00;
	v6 =	vimm.f32 $0.0e+00;
	v5 =	vimm.f32 $0.0e+00;
	s20 =	simm.s32 $0x100;
	v4 =	vld [tilespmem:s31+$0x9620]  }
.LBB2_5:
0x38: {  	p0 =	sne.s32 s20, $0xC700  }
.Ltmp1:
0x39: {  	s21 =	sshra.s32 s20, $0x2;
	s20 =	sadd.s32 $0x100, s20;
	v0 =	vadd.f32 v1, v0;
	(pc) =	sbr.rel @p0 .LBB2_5-.Ltmp1, $4  }
0x3a: {  	v1 =	vld [tilespmem:s21+$0x9630];
	v7 =	vadd.f32 v2, v7  }
0x3b: {  	v2 =	vld [tilespmem:s21+$0x9600];
	v6 =	vadd.f32 v3, v6  }
0x3c: {  	v3 =	vld [tilespmem:s21+$0x9610];
	v5 =	vadd.f32 v4, v5  }
0x3d: {  	v4 =	vld [tilespmem:s21+$0x9620]  }
0x3e: {  	s18 =	sadd.s32 $0x1, s18  }
0x3f: {  	s19 =	sshll.u32 s19, $0x6;
	v0 =	vadd.f32 v1, v0;
	p0 =	sne.s32 s18, $0x40  }
.Ltmp2:
0x40: {  	s19 =	sand.u32 $0x3FFFFFC0, s19;
	v2 =	vadd.f32 v2, v7;
	(pc) =	sbr.rel @p0 .LBB2_2-.Ltmp2, $4  }
0x41: {  	v3 =	vadd.f32 v3, v6;
	[tilespmem:s19+$0xC830] =	vst v0  }
0x42: {  	v4 =	vadd.f32 v4, v5;
	[tilespmem:s19+$0xC800] =	vst v2  }
0x43: {  	[tilespmem:s19+$0xC810] =	vst v3  }
0x44: {  	[tilespmem:s19+$0xC820] =	vst v4  }
0x45: {  	s17 =	sadd.s32 $0x1, s17  }
0x46: {  	p0 =	sne.s32 s17, s6  }
.Ltmp3:
0x47: {  	_ = 	snop;
	(pc) =	sbr.rel @p0 .LBB2_1-.Ltmp3, $4  }
0x48: {  	[hbm4b:s5+s2] =	stream.linear.scatter [tilespmem:s16], [sflag:$0x3], $0x2000, $0x38;
	[tilespmem:$0xE800] =	vst v63  }
0x49: {  	_ =	swait.ge [sflag:s7], $0x2000  }
0x4a: {  	[sflag:s7] =	ssyncset.done $0x0  }
0x4b: {  	[sflag:s7] =	ssyncadd.s32 $0xFFFFE000  }
0x4c: {  	_ =	sfence.sel $0x180000  }
0x4d: {  	[bflag:$0x0] =	sbarrier.arrive $0xFFFF  }
0x4e: {  	p0 =	sne.s32 s0, $0x0;
	_ =	strace $0x90000047  }
0x4f: {  	s0 =	sadd.s32 @!p0 $0x100000, s1;
	[bflag:$0x2] =	sbarrier.arrive $0xFFFF  }
0x50: {  	[sflag:s0] =	ssyncadd.tile.s32 @!p0 $0x1;
	_ =	shalt  }
.Lfunc_end2:
_tile_overlayer_lowered:
.L_overlay_start_2:
0x51: {  	(tag) =	ssettag $0x2  }
0x52: {  	s0 =	rddreg [dreg:$0x0];
	s2 =	stileid.u32  }
0x53: {  	s1 =	rddreg [dreg:$0x1];
	p0 =	sne.s32 s2, $0x0  }
0x54: {  	s3 =	rddreg [dreg:$0x2];
	[bflag:$0x3] =	sbarrier.arrive $0xFFFF;
	s2 =	simm.s32 @!p0 $0x1C04  }
0x55: {  	[timem:s3], [sflag:s2] =	dma.local @!p0 [hbm:s0], s1  }
0x56: {  	s0 =	simm.s32 @!p0 $0x4  }
0x57: {  	_ =	swait.ge @!p0 [sflag:s0], s1  }
0x58: {  	s1 =	ssub.s32 @!p0 $0x0, s1;
	[sflag:s0] =	ssyncset.done @!p0 $0x0  }
0x59: {  	[sflag:s0] =	ssyncadd.s32 @!p0 s1  }
0x5a: {  	[bflag:$0x3] =	sbarrier.arrive $0xFFFF  }
0x5b: {  	_ =	shalt  }

</sc_bundles>
